<compile_context>
chip_gen: v7x
topology: tpu7x:2x2x1
jax: 0.10.2.dev20260603
libtpu: 0.0.44.dev20260713+nightly
codegen_flags: <defaults>
</compile_context>

<pallas_src>
import functools

import jax
import jax.numpy as jnp
from jax import lax
from jax.experimental import pallas as pl
from jax.experimental.pallas import tpu as pltpu
from jax.experimental.pallas import tpu_sc as plsc

_B = 16384
_D = 3
_V = 4096
_L = 16

_info = plsc.get_sparse_core_info()
_NC = 1
_NS = _info.num_subcores
_NW = _NC * _NS
_BPW = _B // _NW
_VECS = _BPW // _L


def _body(idx_hbm, tab_hbm, out_hbm, idx_v, tab_v, out_v, sem_i, sem_t):
    wid = lax.axis_index("s") * _NC + lax.axis_index("c")
    base = wid * _BPW
    cp_idx = pltpu.async_copy(idx_hbm.at[pl.ds(base, _BPW)], idx_v, sem_i)
    cp_tab = [
        pltpu.async_copy(
            tab_hbm.at[pl.ds(c * _V, _V)], tab_v.at[pl.ds(c * _V, _V)], sem_t
        )
        for c in range(_D)
    ]
    cp_idx.wait()
    for cp in cp_tab:
        cp.wait()

    def _chunk(k, _):
        off = pl.multiple_of(k * _L, _L)
        i16 = idx_v[pl.ds(off, _L)]
        for c in range(_D):
            g = plsc.load_gather(tab_v, [i16 + (c * _V) if c else i16])
            out_v[c, pl.ds(off, _L)] = g
        return _

    lax.fori_loop(0, _VECS, _chunk, 0, unroll=8)
    pltpu.sync_copy(out_v, out_hbm.at[:, pl.ds(base, _BPW)])


_gather_call = functools.partial(
    pl.kernel,
    mesh=plsc.VectorSubcoreMesh(
        core_axis_name="c", subcore_axis_name="s", num_cores=_NC
    ),
    out_type=jax.ShapeDtypeStruct((_D, _B), jnp.float32),
    scratch_types=[
        pltpu.VMEM((_BPW,), jnp.int32),
        pltpu.VMEM((_D * _V,), jnp.float32),
        pltpu.VMEM((_D, _BPW), jnp.float32),
        pltpu.SemaphoreType.DMA,
        pltpu.SemaphoreType.DMA,
    ],
    compiler_params=pltpu.CompilerParams(needs_layout_passes=False),
)(_body)


@jax.jit
def kernel(channel_indices, embedding):
    tab_t = embedding.T.reshape(-1)
    out_t = _gather_call(channel_indices.astype(jnp.int32), tab_t)
    return out_t.T

# --- scband reference (transcript-rebuilt; emitter-appended) ---
"""Pipeline reference for scband-reve-position-bank-76003741270297 (READ-ONLY COPY).

The authoritative reference and input builder live on the scoring server;
editing this copy changes nothing except your own understanding.
"""

import jax, jax.numpy as jnp
import numpy as np

NUM_POSITIONS = 4096
NUM_LOOKUPS = 16384


def setup_inputs(seed: int = 0) -> dict:
    key = jax.random.key(seed)
    k_idx, k_emb = jax.random.split(key)
    # channel_names (strings) are resolved to integer indices via self.mapping in the
    # original module; we model that resolved index tensor directly.
    channel_indices = jax.random.randint(k_idx, (NUM_LOOKUPS,), 0, NUM_POSITIONS, dtype=jnp.int64 if jax.config.jax_enable_x64 else jnp.int32)
    # self.embedding buffer: (num_positions, 3) 3D coordinates loaded from the position bank.
    embedding = jax.random.normal(k_emb, (NUM_POSITIONS, 3), dtype=jnp.float32)
    return {"channel_indices": channel_indices, "embedding": embedding}


def reference(channel_indices, embedding):
    # Faithful translation of forward(): name->index mapping already applied upstream;
    # the tensor op is self.embedding[idx_tensor], i.e. a row gather.
    return jnp.take(embedding, channel_indices, axis=0)

if __name__ == "__main__":
    import jax
    _d = setup_inputs()
    print(jax.jit(kernel)(*tuple(_d.values())))

</pallas_src>

<mosaic_0001>
#map = affine_map<(d0, d1) -> (0)>
#map1 = affine_map<(d0, d1) -> (0, 0)>
module attributes {stable_mosaic.version = 14 : i64} {
  func.func @_body(%arg0: i32, %arg1: i32, %arg2: memref<16384xi32, #tpu.memory_space<hbm>>, %arg3: memref<12288xf32, #tpu.memory_space<hbm>>, %arg4: memref<3x16384xf32, #tpu.memory_space<hbm>>, %arg5: memref<1024xi32, #tpu.memory_space<vmem>>, %arg6: memref<12288xf32, #tpu.memory_space<vmem>>, %arg7: memref<3x1024xf32, #tpu.memory_space<vmem>>, %arg8: memref<!tpu.dma_semaphore, #tpu.memory_space<semaphore_mem>>, %arg9: memref<!tpu.dma_semaphore, #tpu.memory_space<semaphore_mem>>) attributes {dimension_semantics = [#tpu.dimension_semantics<core_parallel>, #tpu.dimension_semantics<subcore_parallel>], iteration_bounds = array<i64: 1, 16>, scalar_prefetch = 0 : i64, scratch_operands = 5 : i64, tpu.core_type = #tpu.core_type<sc_vector_subcore>, window_params = [{transform_indices = #map}, {transform_indices = #map}, {transform_indices = #map1}]} {
    %mul3A = arith.constant 1 : i32
    %mul3A_0 = arith.muli %arg1, %mul3A : i32
    %add3A = arith.addi %mul3A_0, %arg0 : i32
    %mul3A_1 = arith.constant 1024 : i32
    %mul3A_2 = arith.muli %add3A, %mul3A_1 : i32
    %dma_start3A = tpu.memref_slice %arg2[%mul3A_2] : memref<16384xi32, #tpu.memory_space<hbm>> -> memref<1024xi32, #tpu.memory_space<hbm>>
    %dma_start3A_3 = tpu.memref_slice %arg2[%mul3A_2] : memref<16384xi32, #tpu.memory_space<hbm>> -> memref<1024xi32, #tpu.memory_space<hbm>>
    tpu.enqueue_dma source(%dma_start3A_3 : memref<1024xi32, #tpu.memory_space<hbm>>) target(%arg5 : memref<1024xi32, #tpu.memory_space<vmem>>) target_semaphore(%arg8 : memref<!tpu.dma_semaphore, #tpu.memory_space<semaphore_mem>>)
    %dma_start3A_4 = arith.constant 0 : i32
    %dma_start3A_5 = tpu.memref_slice %arg6[%dma_start3A_4] : memref<12288xf32, #tpu.memory_space<vmem>> -> memref<4096xf32, #tpu.memory_space<vmem>>
    %dma_start3A_6 = arith.constant 0 : i32
    %dma_start3A_7 = tpu.memref_slice %arg3[%dma_start3A_6] : memref<12288xf32, #tpu.memory_space<hbm>> -> memref<4096xf32, #tpu.memory_space<hbm>>
    %dma_start3A_8 = arith.constant 0 : i32
    %dma_start3A_9 = tpu.memref_slice %arg6[%dma_start3A_8] : memref<12288xf32, #tpu.memory_space<vmem>> -> memref<4096xf32, #tpu.memory_space<vmem>>
    %dma_start3A_10 = arith.constant 0 : i32
    %dma_start3A_11 = tpu.memref_slice %arg3[%dma_start3A_10] : memref<12288xf32, #tpu.memory_space<hbm>> -> memref<4096xf32, #tpu.memory_space<hbm>>
    tpu.enqueue_dma source(%dma_start3A_11 : memref<4096xf32, #tpu.memory_space<hbm>>) target(%dma_start3A_9 : memref<4096xf32, #tpu.memory_space<vmem>>) target_semaphore(%arg9 : memref<!tpu.dma_semaphore, #tpu.memory_space<semaphore_mem>>)
    %dma_start3A_12 = arith.constant 4096 : i32
    %dma_start3A_13 = tpu.memref_slice %arg6[%dma_start3A_12] : memref<12288xf32, #tpu.memory_space<vmem>> -> memref<4096xf32, #tpu.memory_space<vmem>>
    %dma_start3A_14 = arith.constant 4096 : i32
    %dma_start3A_15 = tpu.memref_slice %arg3[%dma_start3A_14] : memref<12288xf32, #tpu.memory_space<hbm>> -> memref<4096xf32, #tpu.memory_space<hbm>>
    %dma_start3A_16 = arith.constant 4096 : i32
    %dma_start3A_17 = tpu.memref_slice %arg6[%dma_start3A_16] : memref<12288xf32, #tpu.memory_space<vmem>> -> memref<4096xf32, #tpu.memory_space<vmem>>
    %dma_start3A_18 = arith.constant 4096 : i32
    %dma_start3A_19 = tpu.memref_slice %arg3[%dma_start3A_18] : memref<12288xf32, #tpu.memory_space<hbm>> -> memref<4096xf32, #tpu.memory_space<hbm>>
    tpu.enqueue_dma source(%dma_start3A_19 : memref<4096xf32, #tpu.memory_space<hbm>>) target(%dma_start3A_17 : memref<4096xf32, #tpu.memory_space<vmem>>) target_semaphore(%arg9 : memref<!tpu.dma_semaphore, #tpu.memory_space<semaphore_mem>>)
    %dma_start3A_20 = arith.constant 8192 : i32
    %dma_start3A_21 = tpu.memref_slice %arg6[%dma_start3A_20] : memref<12288xf32, #tpu.memory_space<vmem>> -> memref<4096xf32, #tpu.memory_space<vmem>>
    %dma_start3A_22 = arith.constant 8192 : i32
    %dma_start3A_23 = tpu.memref_slice %arg3[%dma_start3A_22] : memref<12288xf32, #tpu.memory_space<hbm>> -> memref<4096xf32, #tpu.memory_space<hbm>>
    %dma_start3A_24 = arith.constant 8192 : i32
    %dma_start3A_25 = tpu.memref_slice %arg6[%dma_start3A_24] : memref<12288xf32, #tpu.memory_space<vmem>> -> memref<4096xf32, #tpu.memory_space<vmem>>
    %dma_start3A_26 = arith.constant 8192 : i32
    %dma_start3A_27 = tpu.memref_slice %arg3[%dma_start3A_26] : memref<12288xf32, #tpu.memory_space<hbm>> -> memref<4096xf32, #tpu.memory_space<hbm>>
    tpu.enqueue_dma source(%dma_start3A_27 : memref<4096xf32, #tpu.memory_space<hbm>>) target(%dma_start3A_25 : memref<4096xf32, #tpu.memory_space<vmem>>) target_semaphore(%arg9 : memref<!tpu.dma_semaphore, #tpu.memory_space<semaphore_mem>>)
    %dma_wait3A = tpu.memref_slice %arg2[%mul3A_2] : memref<16384xi32, #tpu.memory_space<hbm>> -> memref<1024xi32, #tpu.memory_space<hbm>>
    %dma_wait3A_28 = tpu.memref_slice %arg2[%mul3A_2] : memref<16384xi32, #tpu.memory_space<hbm>> -> memref<1024xi32, #tpu.memory_space<hbm>>
    tpu.wait_dma2 semaphore(%arg8 : memref<!tpu.dma_semaphore, #tpu.memory_space<semaphore_mem>>) src(%dma_wait3A_28 : memref<1024xi32, #tpu.memory_space<hbm>>) dst(%arg5 : memref<1024xi32, #tpu.memory_space<vmem>>)
    %dma_wait3A_29 = arith.constant 0 : i32
    %dma_wait3A_30 = tpu.memref_slice %arg6[%dma_wait3A_29] : memref<12288xf32, #tpu.memory_space<vmem>> -> memref<4096xf32, #tpu.memory_space<vmem>>
    %dma_wait3A_31 = arith.constant 0 : i32
    %dma_wait3A_32 = tpu.memref_slice %arg3[%dma_wait3A_31] : memref<12288xf32, #tpu.memory_space<hbm>> -> memref<4096xf32, #tpu.memory_space<hbm>>
    %dma_wait3A_33 = arith.constant 0 : i32
    %dma_wait3A_34 = tpu.memref_slice %arg6[%dma_wait3A_33] : memref<12288xf32, #tpu.memory_space<vmem>> -> memref<4096xf32, #tpu.memory_space<vmem>>
    %dma_wait3A_35 = arith.constant 0 : i32
    %dma_wait3A_36 = tpu.memref_slice %arg3[%dma_wait3A_35] : memref<12288xf32, #tpu.memory_space<hbm>> -> memref<4096xf32, #tpu.memory_space<hbm>>
    tpu.wait_dma2 semaphore(%arg9 : memref<!tpu.dma_semaphore, #tpu.memory_space<semaphore_mem>>) src(%dma_wait3A_36 : memref<4096xf32, #tpu.memory_space<hbm>>) dst(%dma_wait3A_34 : memref<4096xf32, #tpu.memory_space<vmem>>)
    %dma_wait3A_37 = arith.constant 4096 : i32
    %dma_wait3A_38 = tpu.memref_slice %arg6[%dma_wait3A_37] : memref<12288xf32, #tpu.memory_space<vmem>> -> memref<4096xf32, #tpu.memory_space<vmem>>
    %dma_wait3A_39 = arith.constant 4096 : i32
    %dma_wait3A_40 = tpu.memref_slice %arg3[%dma_wait3A_39] : memref<12288xf32, #tpu.memory_space<hbm>> -> memref<4096xf32, #tpu.memory_space<hbm>>
    %dma_wait3A_41 = arith.constant 4096 : i32
    %dma_wait3A_42 = tpu.memref_slice %arg6[%dma_wait3A_41] : memref<12288xf32, #tpu.memory_space<vmem>> -> memref<4096xf32, #tpu.memory_space<vmem>>
    %dma_wait3A_43 = arith.constant 4096 : i32
    %dma_wait3A_44 = tpu.memref_slice %arg3[%dma_wait3A_43] : memref<12288xf32, #tpu.memory_space<hbm>> -> memref<4096xf32, #tpu.memory_space<hbm>>
    tpu.wait_dma2 semaphore(%arg9 : memref<!tpu.dma_semaphore, #tpu.memory_space<semaphore_mem>>) src(%dma_wait3A_44 : memref<4096xf32, #tpu.memory_space<hbm>>) dst(%dma_wait3A_42 : memref<4096xf32, #tpu.memory_space<vmem>>)
    %dma_wait3A_45 = arith.constant 8192 : i32
    %dma_wait3A_46 = tpu.memref_slice %arg6[%dma_wait3A_45] : memref<12288xf32, #tpu.memory_space<vmem>> -> memref<4096xf32, #tpu.memory_space<vmem>>
    %dma_wait3A_47 = arith.constant 8192 : i32
    %dma_wait3A_48 = tpu.memref_slice %arg3[%dma_wait3A_47] : memref<12288xf32, #tpu.memory_space<hbm>> -> memref<4096xf32, #tpu.memory_space<hbm>>
    %dma_wait3A_49 = arith.constant 8192 : i32
    %dma_wait3A_50 = tpu.memref_slice %arg6[%dma_wait3A_49] : memref<12288xf32, #tpu.memory_space<vmem>> -> memref<4096xf32, #tpu.memory_space<vmem>>
    %dma_wait3A_51 = arith.constant 8192 : i32
    %dma_wait3A_52 = tpu.memref_slice %arg3[%dma_wait3A_51] : memref<12288xf32, #tpu.memory_space<hbm>> -> memref<4096xf32, #tpu.memory_space<hbm>>
    tpu.wait_dma2 semaphore(%arg9 : memref<!tpu.dma_semaphore, #tpu.memory_space<semaphore_mem>>) src(%dma_wait3A_52 : memref<4096xf32, #tpu.memory_space<hbm>>) dst(%dma_wait3A_50 : memref<4096xf32, #tpu.memory_space<vmem>>)
    %scan3A = arith.constant 0 : i32
    %scan3A_53 = arith.constant 0 : i32
    %scan3A_54 = arith.constant 64 : i32
    %scan3A_55 = arith.addi %scan3A_53, %scan3A_54 : i32
    %scan3A_56 = arith.constant 8 : i32
    scf.for %scan3A_58 = %scan3A_53 to %scan3A_55 step %scan3A_56  : i32 {
      %mul3A_59 = arith.constant 16 : i32
      %mul3A_60 = arith.muli %scan3A_58, %mul3A_59 : i32
      %multiple_of3A = tpu.assume_multiple %mul3A_60, 16 : i32
      %get3A = arith.index_cast %multiple_of3A : i32 to index
      %get3A_61 = tpu.vector_load %arg5[%get3A] {strides = array<i32>} : memref<1024xi32, #tpu.memory_space<vmem>>, vector<16xi32>,
      %gather3A = tpu.vector_load_idx %arg6[%get3A_61] : memref<12288xf32, #tpu.memory_space<vmem>>[vector<16xi32>], vector<16xf32>,
      %swap3A = arith.constant 0 : i32
      %swap3A_62 = arith.index_cast %swap3A : i32 to index
      %swap3A_63 = arith.index_cast %multiple_of3A : i32 to index
      %swap3A_64 = tpu.vector_load %arg7[%swap3A_62, %swap3A_63] {strides = array<i32>} : memref<3x1024xf32, #tpu.memory_space<vmem>>, vector<16xf32>,
      tpu.vector_store %arg7[%swap3A_62, %swap3A_63], %gather3A {strides = array<i32>} : memref<3x1024xf32, #tpu.memory_space<vmem>>, vector<16xf32>,
      %add3A_65 = arith.constant 4096 : i32
      %add3A_66 = vector.broadcast %add3A_65 : i32 to vector<16xi32>
      %add3A_67 = arith.addi %get3A_61, %add3A_66 : vector<16xi32>
      %gather3A_68 = tpu.vector_load_idx %arg6[%add3A_67] : memref<12288xf32, #tpu.memory_space<vmem>>[vector<16xi32>], vector<16xf32>,
      %swap3A_69 = arith.constant 1 : i32
      %swap3A_70 = arith.index_cast %swap3A_69 : i32 to index
      %swap3A_71 = arith.index_cast %multiple_of3A : i32 to index
      %swap3A_72 = tpu.vector_load %arg7[%swap3A_70, %swap3A_71] {strides = array<i32>} : memref<3x1024xf32, #tpu.memory_space<vmem>>, vector<16xf32>,
      tpu.vector_store %arg7[%swap3A_70, %swap3A_71], %gather3A_68 {strides = array<i32>} : memref<3x1024xf32, #tpu.memory_space<vmem>>, vector<16xf32>,
      %add3A_73 = arith.constant 8192 : i32
      %add3A_74 = vector.broadcast %add3A_73 : i32 to vector<16xi32>
      %add3A_75 = arith.addi %get3A_61, %add3A_74 : vector<16xi32>
      %gather3A_76 = tpu.vector_load_idx %arg6[%add3A_75] : memref<12288xf32, #tpu.memory_space<vmem>>[vector<16xi32>], vector<16xf32>,
      %swap3A_77 = arith.constant 2 : i32
      %swap3A_78 = arith.index_cast %swap3A_77 : i32 to index
      %swap3A_79 = arith.index_cast %multiple_of3A : i32 to index
      %swap3A_80 = tpu.vector_load %arg7[%swap3A_78, %swap3A_79] {strides = array<i32>} : memref<3x1024xf32, #tpu.memory_space<vmem>>, vector<16xf32>,
      tpu.vector_store %arg7[%swap3A_78, %swap3A_79], %gather3A_76 {strides = array<i32>} : memref<3x1024xf32, #tpu.memory_space<vmem>>, vector<16xf32>,
      %scan3A_81 = arith.constant 1 : i32
      %scan3A_82 = arith.addi %scan3A_58, %scan3A_81 : i32
      %mul3A_83 = arith.constant 16 : i32
      %mul3A_84 = arith.muli %scan3A_82, %mul3A_83 : i32
      %multiple_of3A_85 = tpu.assume_multiple %mul3A_84, 16 : i32
      %get3A_86 = arith.index_cast %multiple_of3A_85 : i32 to index
      %get3A_87 = tpu.vector_load %arg5[%get3A_86] {strides = array<i32>} : memref<1024xi32, #tpu.memory_space<vmem>>, vector<16xi32>,
      %gather3A_88 = tpu.vector_load_idx %arg6[%get3A_87] : memref<12288xf32, #tpu.memory_space<vmem>>[vector<16xi32>], vector<16xf32>,
      %swap3A_89 = arith.constant 0 : i32
      %swap3A_90 = arith.index_cast %swap3A_89 : i32 to index
      %swap3A_91 = arith.index_cast %multiple_of3A_85 : i32 to index
      %swap3A_92 = tpu.vector_load %arg7[%swap3A_90, %swap3A_91] {strides = array<i32>} : memref<3x1024xf32, #tpu.memory_space<vmem>>, vector<16xf32>,
      tpu.vector_store %arg7[%swap3A_90, %swap3A_91], %gather3A_88 {strides = array<i32>} : memref<3x1024xf32, #tpu.memory_space<vmem>>, vector<16xf32>,
      %add3A_93 = arith.constant 4096 : i32
      %add3A_94 = vector.broadcast %add3A_93 : i32 to vector<16xi32>
      %add3A_95 = arith.addi %get3A_87, %add3A_94 : vector<16xi32>
      %gather3A_96 = tpu.vector_load_idx %arg6[%add3A_95] : memref<12288xf32, #tpu.memory_space<vmem>>[vector<16xi32>], vector<16xf32>,
      %swap3A_97 = arith.constant 1 : i32
      %swap3A_98 = arith.index_cast %swap3A_97 : i32 to index
      %swap3A_99 = arith.index_cast %multiple_of3A_85 : i32 to index
      %swap3A_100 = tpu.vector_load %arg7[%swap3A_98, %swap3A_99] {strides = array<i32>} : memref<3x1024xf32, #tpu.memory_space<vmem>>, vector<16xf32>,
      tpu.vector_store %arg7[%swap3A_98, %swap3A_99], %gather3A_96 {strides = array<i32>} : memref<3x1024xf32, #tpu.memory_space<vmem>>, vector<16xf32>,
      %add3A_101 = arith.constant 8192 : i32
      %add3A_102 = vector.broadcast %add3A_101 : i32 to vector<16xi32>
      %add3A_103 = arith.addi %get3A_87, %add3A_102 : vector<16xi32>
      %gather3A_104 = tpu.vector_load_idx %arg6[%add3A_103] : memref<12288xf32, #tpu.memory_space<vmem>>[vector<16xi32>], vector<16xf32>,
      %swap3A_105 = arith.constant 2 : i32
      %swap3A_106 = arith.index_cast %swap3A_105 : i32 to index
      %swap3A_107 = arith.index_cast %multiple_of3A_85 : i32 to index
      %swap3A_108 = tpu.vector_load %arg7[%swap3A_106, %swap3A_107] {strides = array<i32>} : memref<3x1024xf32, #tpu.memory_space<vmem>>, vector<16xf32>,
      tpu.vector_store %arg7[%swap3A_106, %swap3A_107], %gather3A_104 {strides = array<i32>} : memref<3x1024xf32, #tpu.memory_space<vmem>>, vector<16xf32>,
      %scan3A_109 = arith.constant 2 : i32
      %scan3A_110 = arith.addi %scan3A_58, %scan3A_109 : i32
      %mul3A_111 = arith.constant 16 : i32
      %mul3A_112 = arith.muli %scan3A_110, %mul3A_111 : i32
      %multiple_of3A_113 = tpu.assume_multiple %mul3A_112, 16 : i32
      %get3A_114 = arith.index_cast %multiple_of3A_113 : i32 to index
      %get3A_115 = tpu.vector_load %arg5[%get3A_114] {strides = array<i32>} : memref<1024xi32, #tpu.memory_space<vmem>>, vector<16xi32>,
      %gather3A_116 = tpu.vector_load_idx %arg6[%get3A_115] : memref<12288xf32, #tpu.memory_space<vmem>>[vector<16xi32>], vector<16xf32>,
      %swap3A_117 = arith.constant 0 : i32
      %swap3A_118 = arith.index_cast %swap3A_117 : i32 to index
      %swap3A_119 = arith.index_cast %multiple_of3A_113 : i32 to index
      %swap3A_120 = tpu.vector_load %arg7[%swap3A_118, %swap3A_119] {strides = array<i32>} : memref<3x1024xf32, #tpu.memory_space<vmem>>, vector<16xf32>,
      tpu.vector_store %arg7[%swap3A_118, %swap3A_119], %gather3A_116 {strides = array<i32>} : memref<3x1024xf32, #tpu.memory_space<vmem>>, vector<16xf32>,
      %add3A_121 = arith.constant 4096 : i32
      %add3A_122 = vector.broadcast %add3A_121 : i32 to vector<16xi32>
      %add3A_123 = arith.addi %get3A_115, %add3A_122 : vector<16xi32>
      %gather3A_124 = tpu.vector_load_idx %arg6[%add3A_123] : memref<12288xf32, #tpu.memory_space<vmem>>[vector<16xi32>], vector<16xf32>,
      %swap3A_125 = arith.constant 1 : i32
      %swap3A_126 = arith.index_cast %swap3A_125 : i32 to index
      %swap3A_127 = arith.index_cast %multiple_of3A_113 : i32 to index
      %swap3A_128 = tpu.vector_load %arg7[%swap3A_126, %swap3A_127] {strides = array<i32>} : memref<3x1024xf32, #tpu.memory_space<vmem>>, vector<16xf32>,
      tpu.vector_store %arg7[%swap3A_126, %swap3A_127], %gather3A_124 {strides = array<i32>} : memref<3x1024xf32, #tpu.memory_space<vmem>>, vector<16xf32>,
      %add3A_129 = arith.constant 8192 : i32
      %add3A_130 = vector.broadcast %add3A_129 : i32 to vector<16xi32>
      %add3A_131 = arith.addi %get3A_115, %add3A_130 : vector<16xi32>
      %gather3A_132 = tpu.vector_load_idx %arg6[%add3A_131] : memref<12288xf32, #tpu.memory_space<vmem>>[vector<16xi32>], vector<16xf32>,
      %swap3A_133 = arith.constant 2 : i32
      %swap3A_134 = arith.index_cast %swap3A_133 : i32 to index
      %swap3A_135 = arith.index_cast %multiple_of3A_113 : i32 to index
      %swap3A_136 = tpu.vector_load %arg7[%swap3A_134, %swap3A_135] {strides = array<i32>} : memref<3x1024xf32, #tpu.memory_space<vmem>>, vector<16xf32>,
      tpu.vector_store %arg7[%swap3A_134, %swap3A_135], %gather3A_132 {strides = array<i32>} : memref<3x1024xf32, #tpu.memory_space<vmem>>, vector<16xf32>,
      %scan3A_137 = arith.constant 3 : i32
      %scan3A_138 = arith.addi %scan3A_58, %scan3A_137 : i32
      %mul3A_139 = arith.constant 16 : i32
      %mul3A_140 = arith.muli %scan3A_138, %mul3A_139 : i32
      %multiple_of3A_141 = tpu.assume_multiple %mul3A_140, 16 : i32
      %get3A_142 = arith.index_cast %multiple_of3A_141 : i32 to index
      %get3A_143 = tpu.vector_load %arg5[%get3A_142] {strides = array<i32>} : memref<1024xi32, #tpu.memory_space<vmem>>, vector<16xi32>,
      %gather3A_144 = tpu.vector_load_idx %arg6[%get3A_143] : memref<12288xf32, #tpu.memory_space<vmem>>[vector<16xi32>], vector<16xf32>,
      %swap3A_145 = arith.constant 0 : i32
      %swap3A_146 = arith.index_cast %swap3A_145 : i32 to index
      %swap3A_147 = arith.index_cast %multiple_of3A_141 : i32 to index
      %swap3A_148 = tpu.vector_load %arg7[%swap3A_146, %swap3A_147] {strides = array<i32>} : memref<3x1024xf32, #tpu.memory_space<vmem>>, vector<16xf32>,
      tpu.vector_store %arg7[%swap3A_146, %swap3A_147], %gather3A_144 {strides = array<i32>} : memref<3x1024xf32, #tpu.memory_space<vmem>>, vector<16xf32>,
      %add3A_149 = arith.constant 4096 : i32
      %add3A_150 = vector.broadcast %add3A_149 : i32 to vector<16xi32>
      %add3A_151 = arith.addi %get3A_143, %add3A_150 : vector<16xi32>
      %gather3A_152 = tpu.vector_load_idx %arg6[%add3A_151] : memref<12288xf32, #tpu.memory_space<vmem>>[vector<16xi32>], vector<16xf32>,
      %swap3A_153 = arith.constant 1 : i32
      %swap3A_154 = arith.index_cast %swap3A_153 : i32 to index
      %swap3A_155 = arith.index_cast %multiple_of3A_141 : i32 to index
      %swap3A_156 = tpu.vector_load %arg7[%swap3A_154, %swap3A_155] {strides = array<i32>} : memref<3x1024xf32, #tpu.memory_space<vmem>>, vector<16xf32>,
      tpu.vector_store %arg7[%swap3A_154, %swap3A_155], %gather3A_152 {strides = array<i32>} : memref<3x1024xf32, #tpu.memory_space<vmem>>, vector<16xf32>,
      %add3A_157 = arith.constant 8192 : i32
      %add3A_158 = vector.broadcast %add3A_157 : i32 to vector<16xi32>
      %add3A_159 = arith.addi %get3A_143, %add3A_158 : vector<16xi32>
      %gather3A_160 = tpu.vector_load_idx %arg6[%add3A_159] : memref<12288xf32, #tpu.memory_space<vmem>>[vector<16xi32>], vector<16xf32>,
      %swap3A_161 = arith.constant 2 : i32
      %swap3A_162 = arith.index_cast %swap3A_161 : i32 to index
      %swap3A_163 = arith.index_cast %multiple_of3A_141 : i32 to index
      %swap3A_164 = tpu.vector_load %arg7[%swap3A_162, %swap3A_163] {strides = array<i32>} : memref<3x1024xf32, #tpu.memory_space<vmem>>, vector<16xf32>,
      tpu.vector_store %arg7[%swap3A_162, %swap3A_163], %gather3A_160 {strides = array<i32>} : memref<3x1024xf32, #tpu.memory_space<vmem>>, vector<16xf32>,
      %scan3A_165 = arith.constant 4 : i32
      %scan3A_166 = arith.addi %scan3A_58, %scan3A_165 : i32
      %mul3A_167 = arith.constant 16 : i32
      %mul3A_168 = arith.muli %scan3A_166, %mul3A_167 : i32
      %multiple_of3A_169 = tpu.assume_multiple %mul3A_168, 16 : i32
      %get3A_170 = arith.index_cast %multiple_of3A_169 : i32 to index
      %get3A_171 = tpu.vector_load %arg5[%get3A_170] {strides = array<i32>} : memref<1024xi32, #tpu.memory_space<vmem>>, vector<16xi32>,
      %gather3A_172 = tpu.vector_load_idx %arg6[%get3A_171] : memref<12288xf32, #tpu.memory_space<vmem>>[vector<16xi32>], vector<16xf32>,
      %swap3A_173 = arith.constant 0 : i32
      %swap3A_174 = arith.index_cast %swap3A_173 : i32 to index
      %swap3A_175 = arith.index_cast %multiple_of3A_169 : i32 to index
      %swap3A_176 = tpu.vector_load %arg7[%swap3A_174, %swap3A_175] {strides = array<i32>} : memref<3x1024xf32, #tpu.memory_space<vmem>>, vector<16xf32>,
      tpu.vector_store %arg7[%swap3A_174, %swap3A_175], %gather3A_172 {strides = array<i32>} : memref<3x1024xf32, #tpu.memory_space<vmem>>, vector<16xf32>,
      %add3A_177 = arith.constant 4096 : i32
      %add3A_178 = vector.broadcast %add3A_177 : i32 to vector<16xi32>
      %add3A_179 = arith.addi %get3A_171, %add3A_178 : vector<16xi32>
      %gather3A_180 = tpu.vector_load_idx %arg6[%add3A_179] : memref<12288xf32, #tpu.memory_space<vmem>>[vector<16xi32>], vector<16xf32>,
      %swap3A_181 = arith.constant 1 : i32
      %swap3A_182 = arith.index_cast %swap3A_181 : i32 to index
      %swap3A_183 = arith.index_cast %multiple_of3A_169 : i32 to index
      %swap3A_184 = tpu.vector_load %arg7[%swap3A_182, %swap3A_183] {strides = array<i32>} : memref<3x1024xf32, #tpu.memory_space<vmem>>, vector<16xf32>,
      tpu.vector_store %arg7[%swap3A_182, %swap3A_183], %gather3A_180 {strides = array<i32>} : memref<3x1024xf32, #tpu.memory_space<vmem>>, vector<16xf32>,
      %add3A_185 = arith.constant 8192 : i32
      %add3A_186 = vector.broadcast %add3A_185 : i32 to vector<16xi32>
      %add3A_187 = arith.addi %get3A_171, %add3A_186 : vector<16xi32>
      %gather3A_188 = tpu.vector_load_idx %arg6[%add3A_187] : memref<12288xf32, #tpu.memory_space<vmem>>[vector<16xi32>], vector<16xf32>,
      %swap3A_189 = arith.constant 2 : i32
      %swap3A_190 = arith.index_cast %swap3A_189 : i32 to index
      %swap3A_191 = arith.index_cast %multiple_of3A_169 : i32 to index
      %swap3A_192 = tpu.vector_load %arg7[%swap3A_190, %swap3A_191] {strides = array<i32>} : memref<3x1024xf32, #tpu.memory_space<vmem>>, vector<16xf32>,
      tpu.vector_store %arg7[%swap3A_190, %swap3A_191], %gather3A_188 {strides = array<i32>} : memref<3x1024xf32, #tpu.memory_space<vmem>>, vector<16xf32>,
      %scan3A_193 = arith.constant 5 : i32
      %scan3A_194 = arith.addi %scan3A_58, %scan3A_193 : i32
      %mul3A_195 = arith.constant 16 : i32
      %mul3A_196 = arith.muli %scan3A_194, %mul3A_195 : i32
      %multiple_of3A_197 = tpu.assume_multiple %mul3A_196, 16 : i32
      %get3A_198 = arith.index_cast %multiple_of3A_197 : i32 to index
      %get3A_199 = tpu.vector_load %arg5[%get3A_198] {strides = array<i32>} : memref<1024xi32, #tpu.memory_space<vmem>>, vector<16xi32>,
      %gather3A_200 = tpu.vector_load_idx %arg6[%get3A_199] : memref<12288xf32, #tpu.memory_space<vmem>>[vector<16xi32>], vector<16xf32>,
      %swap3A_201 = arith.constant 0 : i32
      %swap3A_202 = arith.index_cast %swap3A_201 : i32 to index
      %swap3A_203 = arith.index_cast %multiple_of3A_197 : i32 to index
      %swap3A_204 = tpu.vector_load %arg7[%swap3A_202, %swap3A_203] {strides = array<i32>} : memref<3x1024xf32, #tpu.memory_space<vmem>>, vector<16xf32>,
      tpu.vector_store %arg7[%swap3A_202, %swap3A_203], %gather3A_200 {strides = array<i32>} : memref<3x1024xf32, #tpu.memory_space<vmem>>, vector<16xf32>,
      %add3A_205 = arith.constant 4096 : i32
      %add3A_206 = vector.broadcast %add3A_205 : i32 to vector<16xi32>
      %add3A_207 = arith.addi %get3A_199, %add3A_206 : vector<16xi32>
      %gather3A_208 = tpu.vector_load_idx %arg6[%add3A_207] : memref<12288xf32, #tpu.memory_space<vmem>>[vector<16xi32>], vector<16xf32>,
      %swap3A_209 = arith.constant 1 : i32
      %swap3A_210 = arith.index_cast %swap3A_209 : i32 to index
      %swap3A_211 = arith.index_cast %multiple_of3A_197 : i32 to index
      %swap3A_212 = tpu.vector_load %arg7[%swap3A_210, %swap3A_211] {strides = array<i32>} : memref<3x1024xf32, #tpu.memory_space<vmem>>, vector<16xf32>,
      tpu.vector_store %arg7[%swap3A_210, %swap3A_211], %gather3A_208 {strides = array<i32>} : memref<3x1024xf32, #tpu.memory_space<vmem>>, vector<16xf32>,
      %add3A_213 = arith.constant 8192 : i32
      %add3A_214 = vector.broadcast %add3A_213 : i32 to vector<16xi32>
      %add3A_215 = arith.addi %get3A_199, %add3A_214 : vector<16xi32>
      %gather3A_216 = tpu.vector_load_idx %arg6[%add3A_215] : memref<12288xf32, #tpu.memory_space<vmem>>[vector<16xi32>], vector<16xf32>,
      %swap3A_217 = arith.constant 2 : i32
      %swap3A_218 = arith.index_cast %swap3A_217 : i32 to index
      %swap3A_219 = arith.index_cast %multiple_of3A_197 : i32 to index
      %swap3A_220 = tpu.vector_load %arg7[%swap3A_218, %swap3A_219] {strides = array<i32>} : memref<3x1024xf32, #tpu.memory_space<vmem>>, vector<16xf32>,
      tpu.vector_store %arg7[%swap3A_218, %swap3A_219], %gather3A_216 {strides = array<i32>} : memref<3x1024xf32, #tpu.memory_space<vmem>>, vector<16xf32>,
      %scan3A_221 = arith.constant 6 : i32
      %scan3A_222 = arith.addi %scan3A_58, %scan3A_221 : i32
      %mul3A_223 = arith.constant 16 : i32
      %mul3A_224 = arith.muli %scan3A_222, %mul3A_223 : i32
      %multiple_of3A_225 = tpu.assume_multiple %mul3A_224, 16 : i32
      %get3A_226 = arith.index_cast %multiple_of3A_225 : i32 to index
      %get3A_227 = tpu.vector_load %arg5[%get3A_226] {strides = array<i32>} : memref<1024xi32, #tpu.memory_space<vmem>>, vector<16xi32>,
      %gather3A_228 = tpu.vector_load_idx %arg6[%get3A_227] : memref<12288xf32, #tpu.memory_space<vmem>>[vector<16xi32>], vector<16xf32>,
      %swap3A_229 = arith.constant 0 : i32
      %swap3A_230 = arith.index_cast %swap3A_229 : i32 to index
      %swap3A_231 = arith.index_cast %multiple_of3A_225 : i32 to index
      %swap3A_232 = tpu.vector_load %arg7[%swap3A_230, %swap3A_231] {strides = array<i32>} : memref<3x1024xf32, #tpu.memory_space<vmem>>, vector<16xf32>,
      tpu.vector_store %arg7[%swap3A_230, %swap3A_231], %gather3A_228 {strides = array<i32>} : memref<3x1024xf32, #tpu.memory_space<vmem>>, vector<16xf32>,
      %add3A_233 = arith.constant 4096 : i32
      %add3A_234 = vector.broadcast %add3A_233 : i32 to vector<16xi32>
      %add3A_235 = arith.addi %get3A_227, %add3A_234 : vector<16xi32>
      %gather3A_236 = tpu.vector_load_idx %arg6[%add3A_235] : memref<12288xf32, #tpu.memory_space<vmem>>[vector<16xi32>], vector<16xf32>,
      %swap3A_237 = arith.constant 1 : i32
      %swap3A_238 = arith.index_cast %swap3A_237 : i32 to index
      %swap3A_239 = arith.index_cast %multiple_of3A_225 : i32 to index
      %swap3A_240 = tpu.vector_load %arg7[%swap3A_238, %swap3A_239] {strides = array<i32>} : memref<3x1024xf32, #tpu.memory_space<vmem>>, vector<16xf32>,
      tpu.vector_store %arg7[%swap3A_238, %swap3A_239], %gather3A_236 {strides = array<i32>} : memref<3x1024xf32, #tpu.memory_space<vmem>>, vector<16xf32>,
      %add3A_241 = arith.constant 8192 : i32
      %add3A_242 = vector.broadcast %add3A_241 : i32 to vector<16xi32>
      %add3A_243 = arith.addi %get3A_227, %add3A_242 : vector<16xi32>
      %gather3A_244 = tpu.vector_load_idx %arg6[%add3A_243] : memref<12288xf32, #tpu.memory_space<vmem>>[vector<16xi32>], vector<16xf32>,
      %swap3A_245 = arith.constant 2 : i32
      %swap3A_246 = arith.index_cast %swap3A_245 : i32 to index
      %swap3A_247 = arith.index_cast %multiple_of3A_225 : i32 to index
      %swap3A_248 = tpu.vector_load %arg7[%swap3A_246, %swap3A_247] {strides = array<i32>} : memref<3x1024xf32, #tpu.memory_space<vmem>>, vector<16xf32>,
      tpu.vector_store %arg7[%swap3A_246, %swap3A_247], %gather3A_244 {strides = array<i32>} : memref<3x1024xf32, #tpu.memory_space<vmem>>, vector<16xf32>,
      %scan3A_249 = arith.constant 7 : i32
      %scan3A_250 = arith.addi %scan3A_58, %scan3A_249 : i32
      %mul3A_251 = arith.constant 16 : i32
      %mul3A_252 = arith.muli %scan3A_250, %mul3A_251 : i32
      %multiple_of3A_253 = tpu.assume_multiple %mul3A_252, 16 : i32
      %get3A_254 = arith.index_cast %multiple_of3A_253 : i32 to index
      %get3A_255 = tpu.vector_load %arg5[%get3A_254] {strides = array<i32>} : memref<1024xi32, #tpu.memory_space<vmem>>, vector<16xi32>,
      %gather3A_256 = tpu.vector_load_idx %arg6[%get3A_255] : memref<12288xf32, #tpu.memory_space<vmem>>[vector<16xi32>], vector<16xf32>,
      %swap3A_257 = arith.constant 0 : i32
      %swap3A_258 = arith.index_cast %swap3A_257 : i32 to index
      %swap3A_259 = arith.index_cast %multiple_of3A_253 : i32 to index
      %swap3A_260 = tpu.vector_load %arg7[%swap3A_258, %swap3A_259] {strides = array<i32>} : memref<3x1024xf32, #tpu.memory_space<vmem>>, vector<16xf32>,
      tpu.vector_store %arg7[%swap3A_258, %swap3A_259], %gather3A_256 {strides = array<i32>} : memref<3x1024xf32, #tpu.memory_space<vmem>>, vector<16xf32>,
      %add3A_261 = arith.constant 4096 : i32
      %add3A_262 = vector.broadcast %add3A_261 : i32 to vector<16xi32>
      %add3A_263 = arith.addi %get3A_255, %add3A_262 : vector<16xi32>
      %gather3A_264 = tpu.vector_load_idx %arg6[%add3A_263] : memref<12288xf32, #tpu.memory_space<vmem>>[vector<16xi32>], vector<16xf32>,
      %swap3A_265 = arith.constant 1 : i32
      %swap3A_266 = arith.index_cast %swap3A_265 : i32 to index
      %swap3A_267 = arith.index_cast %multiple_of3A_253 : i32 to index
      %swap3A_268 = tpu.vector_load %arg7[%swap3A_266, %swap3A_267] {strides = array<i32>} : memref<3x1024xf32, #tpu.memory_space<vmem>>, vector<16xf32>,
      tpu.vector_store %arg7[%swap3A_266, %swap3A_267], %gather3A_264 {strides = array<i32>} : memref<3x1024xf32, #tpu.memory_space<vmem>>, vector<16xf32>,
      %add3A_269 = arith.constant 8192 : i32
      %add3A_270 = vector.broadcast %add3A_269 : i32 to vector<16xi32>
      %add3A_271 = arith.addi %get3A_255, %add3A_270 : vector<16xi32>
      %gather3A_272 = tpu.vector_load_idx %arg6[%add3A_271] : memref<12288xf32, #tpu.memory_space<vmem>>[vector<16xi32>], vector<16xf32>,
      %swap3A_273 = arith.constant 2 : i32
      %swap3A_274 = arith.index_cast %swap3A_273 : i32 to index
      %swap3A_275 = arith.index_cast %multiple_of3A_253 : i32 to index
      %swap3A_276 = tpu.vector_load %arg7[%swap3A_274, %swap3A_275] {strides = array<i32>} : memref<3x1024xf32, #tpu.memory_space<vmem>>, vector<16xf32>,
      tpu.vector_store %arg7[%swap3A_274, %swap3A_275], %gather3A_272 {strides = array<i32>} : memref<3x1024xf32, #tpu.memory_space<vmem>>, vector<16xf32>,
    }
    %scan3A_57 = arith.constant 64 : i32
    "tpu.region"() ({
      %run_scoped3A = tpu.sem_alloc : memref<!tpu.dma_semaphore, #tpu.memory_space<semaphore_mem>>
      %dma_start3A_58 = arith.constant 0 : i32
      %dma_start3A_59 = tpu.memref_slice %arg4[%dma_start3A_58, %mul3A_2] : memref<3x16384xf32, #tpu.memory_space<hbm>> -> memref<3x1024xf32, #tpu.memory_space<hbm>>
      %dma_start3A_60 = arith.constant 0 : i32
      %dma_start3A_61 = tpu.memref_slice %arg4[%dma_start3A_60, %mul3A_2] : memref<3x16384xf32, #tpu.memory_space<hbm>> -> memref<3x1024xf32, #tpu.memory_space<hbm>>
      tpu.enqueue_dma source(%arg7 : memref<3x1024xf32, #tpu.memory_space<vmem>>) target(%dma_start3A_61 : memref<3x1024xf32, #tpu.memory_space<hbm>>) target_semaphore(%run_scoped3A : memref<!tpu.dma_semaphore, #tpu.memory_space<semaphore_mem>>)
      %dma_wait3A_62 = arith.constant 0 : i32
      %dma_wait3A_63 = tpu.memref_slice %arg4[%dma_wait3A_62, %mul3A_2] : memref<3x16384xf32, #tpu.memory_space<hbm>> -> memref<3x1024xf32, #tpu.memory_space<hbm>>
      %dma_wait3A_64 = arith.constant 0 : i32
      %dma_wait3A_65 = tpu.memref_slice %arg4[%dma_wait3A_64, %mul3A_2] : memref<3x16384xf32, #tpu.memory_space<hbm>> -> memref<3x1024xf32, #tpu.memory_space<hbm>>
      tpu.wait_dma2 semaphore(%run_scoped3A : memref<!tpu.dma_semaphore, #tpu.memory_space<semaphore_mem>>) src(%arg7 : memref<3x1024xf32, #tpu.memory_space<vmem>>) dst(%dma_wait3A_65 : memref<3x1024xf32, #tpu.memory_space<hbm>>)
      tpu.yield
    }) : () -> ()
    return
  }
}

</mosaic_0001>

<sc_bundles>
// kernel: kernel.3.cloned.1.call-start
scs
__scs_entry_jumppad:
0x0: {  	(pc) =	sbr.rel $0x88, $3  }
0x1: {  	(tag) =	ssettag $0x0;
	lr =	simm.s32 $0x1  }
0x2: {  	[smem:$0x3F9F] =	sst lr;
	_ =	strace $0xD0000000  }
0x3: {  	_ = 	snop  }
0x4: {  	_ = 	snop  }
0x5: {  	_ = 	snop  }
0x6: {  	_ = 	snop  }
0x7: {  	_ = 	snop  }
__scs_overlays_trampoline_lowered:
0x8: {  	[smem:$0x3FAE] =	sst s0  }
0x9: {  	[smem:$0x3FAF] =	sst s1  }
0xa: {  	[smem:$0x3FB0] =	sst s2  }
0xb: {  	[smem:$0x3FB1] =	sst s3  }
0xc: {  	[smem:$0x3FB2] =	sst s4  }
0xd: {  	[smem:$0x3FB3] =	sst s5  }
0xe: {  	[smem:$0x3FB4] =	sst s6  }
0xf: {  	[smem:$0x3FB5] =	sst s7  }
0x10: {  	[smem:$0x3FB6] =	sst s8  }
0x11: {  	[smem:$0x3FB7] =	sst s9;
	s0 =	simm.s32 @!p0 $0x0  }
0x12: {  	s1 =	sld [smem:$0x3F9D];
	s0 =	simm.s32 @p0 $0x1  }
0x13: {  	[smem:$0x3FB8] =	sst s0;
	s0 =	simm.s32 @!p1 $0x0  }
0x14: {  	s2 =	sld [smem:$0x3F9C];
	s0 =	simm.s32 @p1 $0x1  }
0x15: {  	[smem:$0x3FB9] =	sst s0;
	s0 =	simm.s32 @!p2 $0x0  }
0x16: {  	s3 =	sld [smem:$0x3FDB];
	s0 =	simm.s32 @p2 $0x1  }
0x17: {  	s4 =	simm.s32 $0x1BF5;
	[smem:$0x3FBB] =	sst s0  }
0x18: {  	s0 =	sld [smem:$0x3F9E];
	_ =	swait.ge [sflag:s4], $0x0  }
0x19: {  	s7 =	sld [smem:$0x3F9F]  }
0x1a: {  	s8 =	sadd.s32 $0xFFFFE003, lr  }
0x1b: {  	s9 =	sadd.s32 $0xFFFFFEF7, lr;
	s5 =	simm.s32 $0xFFFFFFFF;
	p2 =	slt.u32 s8, $0xFFFFF086  }
0x1c: {  	p1 =	slt.u32 s9, $0xF7A;
	s5 =	simm.s32 @!p2 $0x0  }
0x1d: {  	s5 =	simm.s32 @p1 $0x1;
	p0 =	seq.s32 s7, s2  }
0x1e: {  	s7 =	smul.u32 @!p0 $0xF7A, s2;
	p2 =	seq.s32 @!p0 s5, $0x0  }
0x1f: {  	s9 =	smul.u32 $0xF7A, s1;
	s8 =	simm.s32 @!p0 $0x1BF5;
	p2 =	por !p2, p0  }
0x20: {  	[sflag:s8] =	ssyncset.s32 @!p0 $0xFFFFF086;
	s6 =	sadd.s32 @!p0 s3, s7;
	s7 =	simm.s32 @!p0 $0x108  }
0x21: {  	s3 =	sadd.s32 s3, s9;
	s6 =	sadd.s32 @!p0 $0x88, s6;
	s7 =	simm.s32 @p2 $0x1082  }
0x22: {  	[simem:s7], [sflag:s8] =	dma.local @!p0 [hbm:s6], $0xF7A  }
0x23: {  	s9 =	sor.u32 $0xD0000000, s2;
	s6 =	simm.s32 $0x108;
	_ =	swait.ge @!p0 [sflag:s8], $0x0  }
0x24: {  	s3 =	sadd.s32 $0x88, s3;
	s6 =	simm.s32 @!p1 $0x1082;
	[sflag:s4] =	ssyncset.s32 $0xFFFFF086  }
0x25: {  	[simem:s6], [sflag:s4] =	dma.local [hbm:s3], $0xF7A  }
0x26: {  	[smem:$0x3F9F] =	sst s1;
	(tag) =	ssettag s2;
	_ =	strace s9  }
0x27: {  	s1 =	sld [smem:$0x3FAF]  }
0x28: {  	s2 =	sld [smem:$0x3FB0]  }
0x29: {  	s4 =	sld [smem:$0x3FB2]  }
0x2a: {  	p0 =	seq.s32 s5, $0x0;
	s5 =	sld [smem:$0x3FB3]  }
0x2b: {  	s6 =	sld [smem:$0x3FB4]  }
0x2c: {  	s7 =	sld [smem:$0x3FB5]  }
0x2d: {  	s3 =	simm.s32 $0x108;
	s8 =	sld [smem:$0x3FB6]  }
0x2e: {  	s3 =	simm.s32 @!p0 $0x1082;
	s9 =	sld [smem:$0x3FB7]  }
0x2f: {  	lr =	sadd.s32 s0, s3;
	s0 =	sld [smem:$0x3FAE]  }
0x30: {  	s3 =	sld [smem:$0x3FB1]  }
0x31: {  	[smem:$0x3FBA] =	sst s10  }
0x32: {  	s10 =	sld [smem:$0x3FB8];
	_ =	sdelay $0x3  }
0x33: {  	p0 =	seq.s32 s10, $0x1;
	s10 =	sld [smem:$0x3FBA];
	_ =	sdelay $0x3  }
0x34: {  	[smem:$0x3FBA] =	sst s10  }
0x35: {  	s10 =	sld [smem:$0x3FB9];
	_ =	sdelay $0x3  }
0x36: {  	p1 =	seq.s32 s10, $0x1;
	s10 =	sld [smem:$0x3FBA];
	_ =	sdelay $0x3  }
0x37: {  	[smem:$0x3FBA] =	sst s10  }
0x38: {  	s10 =	sld [smem:$0x3FBB]  }
0x39: {  	_ = 	snop;
	(pc) =	sbr.ind lr, $3  }
0x3a: {  	_ = 	snop  }
0x3b: {  	_ = 	snop  }
0x3c: {  	p2 =	seq.s32 s10, $0x1;
	s10 =	sld [smem:$0x3FBA]  }
0x3d: {  	_ =	shalt  }
0x3e: {  	_ =	shalt  }
0x3f: {  	_ =	shalt  }
0x40: {  	_ =	shalt  }
0x41: {  	_ =	shalt  }
0x42: {  	_ =	shalt  }
0x43: {  	_ =	shalt  }
0x44: {  	_ =	shalt  }
0x45: {  	_ =	shalt  }
0x46: {  	_ =	shalt  }
0x47: {  	_ =	shalt  }
0x48: {  	_ =	shalt  }
0x49: {  	_ =	shalt  }
0x4a: {  	_ =	shalt  }
0x4b: {  	_ =	shalt  }
0x4c: {  	_ =	shalt  }
0x4d: {  	_ =	shalt  }
0x4e: {  	_ =	shalt  }
0x4f: {  	_ =	shalt  }
0x50: {  	_ =	shalt  }
0x51: {  	_ =	shalt  }
0x52: {  	_ =	shalt  }
0x53: {  	_ =	shalt  }
0x54: {  	_ =	shalt  }
0x55: {  	_ =	shalt  }
0x56: {  	_ =	shalt  }
0x57: {  	_ =	shalt  }
0x58: {  	_ =	shalt  }
0x59: {  	_ =	shalt  }
0x5a: {  	_ =	shalt  }
0x5b: {  	_ =	shalt  }
0x5c: {  	_ =	shalt  }
0x5d: {  	_ =	shalt  }
0x5e: {  	_ =	shalt  }
0x5f: {  	_ =	shalt  }
0x60: {  	_ =	shalt  }
0x61: {  	_ =	shalt  }
0x62: {  	_ =	shalt  }
0x63: {  	_ =	shalt  }
0x64: {  	_ =	shalt  }
0x65: {  	_ =	shalt  }
0x66: {  	_ =	shalt  }
0x67: {  	_ =	shalt  }
0x68: {  	_ =	shalt  }
0x69: {  	_ =	shalt  }
0x6a: {  	_ =	shalt  }
0x6b: {  	_ =	shalt  }
0x6c: {  	_ =	shalt  }
0x6d: {  	_ =	shalt  }
0x6e: {  	_ =	shalt  }
0x6f: {  	_ =	shalt  }
0x70: {  	_ =	shalt  }
0x71: {  	_ =	shalt  }
0x72: {  	_ =	shalt  }
0x73: {  	_ =	shalt  }
0x74: {  	_ =	shalt  }
0x75: {  	_ =	shalt  }
0x76: {  	_ =	shalt  }
0x77: {  	_ =	shalt  }
0x78: {  	_ =	shalt  }
0x79: {  	_ =	shalt  }
0x7a: {  	_ =	shalt  }
0x7b: {  	_ =	shalt  }
0x7c: {  	_ =	shalt  }
0x7d: {  	_ =	shalt  }
0x7e: {  	_ =	shalt  }
0x7f: {  	_ =	shalt  }
0x80: {  	_ =	shalt  }
0x81: {  	_ =	shalt  }
0x82: {  	_ =	shalt  }
0x83: {  	_ =	shalt  }
0x84: {  	_ =	shalt  }
0x85: {  	_ =	shalt  }
0x86: {  	_ =	shalt  }
0x87: {  	_ =	shalt  }
.Lfunc_end0:
.L_simem_size_0:
called_computation_lowered:
.L_overlay_start_0:
0x88: {  	s0 =	sld [smem:$0x3FD9]  }
0x89: {  	s1 =	sld [smem:$0x3FFE];
	_ =	sdelay $0x3  }
0x8a: {  	s0 =	sadd.s32 s1, s0  }
0x8b: {  	[smem:$0x3FC6] =	sst s0  }
0x8c: {  	_ = 	snop  }
0x8d: {  	s0 =	sld [smem:$0x3FC9]  }
0x8e: {  	s16 =	sld [smem:$0x3FD0];
	(tm) =	ssettm $0x1  }
0x8f: {  	s2 =	sld [smem:$0x3FFB];
	_ =	sdelay $0x3  }
0x90: {  	_ =	strace s2  }
0x91: {  	s2 =	sld [smem:$0x3FFC];
	_ =	sdelay $0x3  }
0x92: {  	_ =	strace s2  }
0x93: {  	s2 =	sld [smem:$0x3FFD];
	_ =	sdelay $0x3  }
0x94: {  	_ =	strace s2  }
0x95: {  	_ =	strace $0x8FFFFFFF  }
0x96: {  	s17 =	sld [smem:$0x3FDB];
	_ =	sdelay $0x1  }
0x97: {  	s3 =	simm.s32 $_scs_section_size  }
0x98: {  	s4 =	simm.s32 $_size__tile_overlayer_lowered;
	s5 =	simm.s32 $_tile_overlayer_lowered  }
0x99: {  	s20 =	simm.s32 $0x1BFF;
	s19 =	sshll.u32 s5, $0x1;
	s2 =	sadd.s32 s3, s17  }
0x9a: {  	s6 =	simm.s32 $0x0;
	s18 =	sshll.u32 s4, $0x1;
	s4 =	sadd.s32 s19, s2  }
0x9b: {  	[timem:s6], [sflag:s20] =	dma.local [hbm:s4], s18  }
0x9c: {  	_ =	swait.ge [sflag:s20], s18  }
0x9d: {  	s3 =	ssub.s32 $0x0, s18;
	[sflag:s20] =	ssyncset.done $0x0  }
0x9e: {  	[sflag:s20] =	ssyncadd.s32 s3;
	_ =	sdelay $0x1  }
0x9f: {  	s21 =	simm.s32 $0x1B8B  }
0xa0: {  	_ =	swait.ge [sflag:s21], $0x1  }
0xa1: {  	[sflag:s21] =	ssyncset.done $0x0  }
0xa2: {  	s23 =	simm.s32 $0x1B8E;
	s22 =	sld [smem:$0x3FFE];
	[sflag:s21] =	ssyncadd.s32 $0xFFFFFFFF  }
0xa3: {  	s24 =	simm.s32 $execute0_lowered;
	[smem:$0x3FD2] =	sst s23  }
0xa4: {  	s4 =	sshll.u32 s24, $0x1;
	_ =	strace $0x80000046;
	[dreg:$0x1] =	wrdreg $0xFFFFFFFF  }
0xa5: {  	s25 =	simm.s32 $_size_execute0_lowered;
	s2 =	sadd.s32 s2, s4;
	[dreg:$0x0] =	wrdreg $0x0  }
0xa6: {  	s4 =	sshll.u32 s25, $0x1;
	[dreg:$0x2] =	wrdreg s2  }
0xa7: {  	[dreg:$0x3] =	wrdreg s4  }
0xa8: {  	[dreg:$0x4] =	wrdreg $0xC0  }
0xa9: {  	_ =	task [dreg:s6], $0x5FFFF  }
0xaa: {  	[dreg:$0x1] =	wrdreg $0xFFFFFFFF  }
0xab: {  	[dreg:$0x0] =	wrdreg $0x60  }
0xac: {  	[dreg:$0x2] =	wrdreg s0  }
0xad: {  	[dreg:$0x3] =	wrdreg s22  }
0xae: {  	[dreg:$0x4] =	wrdreg s16  }
0xaf: {  	[dreg:$0x5] =	wrdreg $0x9  }
0xb0: {  	_ =	task.clear_ibuf [dreg:s6], $0x6FFFF;
	_ =	strace $0x90000046  }
0xb1: {  	s26 =	simm.s32 $0x9;
	_ =	strace $0x80000048  }
0xb2: {  	_ =	swait.ge [sflag:s26], $0x1  }
0xb3: {  	[sflag:s26] =	ssyncadd.s32 $0xFFFFFFFF  }
0xb4: {  	_ =	strace $0x90000048  }
0xb5: {  	_ =	sfence  }
0xb6: {  	s28 =	sld [smem:$0x0];
	_ =	sdelay $0x1  }
0xb7: {  	s29 =	srdreg.scid  }
0xb8: {  	s30 =	sshll.u32 s29, $0xD;
	s31 =	sshrl.u32 s29, $0x2  }
0xb9: {  	s1 =	sand.u32 $0x1, s29;
	s2 =	sand.u32 $0x4000, s30;
	s0 =	sadd.s32 s31, s28  }
0xba: {  	s1 =	sor.u32 s2, s1;
	s0 =	sshll.u32 s0, $0x11  }
0xbb: {  	s0 =	sor.u32 s0, s1  }
0xbc: {  	s0 =	sadd.s32 $0x8F2B, s0  }
0xbd: {  	[sflag:s0] =	ssyncadd.remote.s32 $0x1  }
0xbe: {  	_ =	sfence.sel $0xFFFF  }
0xbf: {  	[dreg:$0x0] =	wrdreg $0xFFFFFFFF;
	(pc) =	sbr.abs _section_cstart, $3  }
0xc0: {  	[dreg:$0x1] =	wrdreg $0xFFFFFFFF  }
0xc1: {  	_ =	task.clear_ibuf [dreg:s6], $0x2FFFF;
	_ =	strace $0x9FFFFFFF  }
0xc2: {  	(tm) =	ssettm $0x7FFFFFFF  }
0xc3: {  	_ =	shalt  }
tec
execute0_lowered:
.L_overlay_start_1:
0x0: {  	(tag) =	ssettag $0x1  }
0x1: {  	s3 =	rddreg [dreg:$0x0]  }
0x2: {  	s4 =	rddreg [dreg:$0x1]  }
0x3: {  	s2 =	rddreg [dreg:$0x2];
	s5 =	simm.s32 $0x0;
	s1 =	stileid.u32  }
0x4: {  	[smem:$0x7FF] =	sst s5;
	s6 =	sshll.u32 s1, $0x7  }
0x5: {  	s0 =	rddreg [dreg:$0x3];
	_ =	strace $0x80000047;
	s3 =	sadd.s32 s3, s6  }
0x6: {  	[tilespmem:s5], [sflag:$0x1] =	stream.linear.gather [hbm4b:s3+s5], $0x400, $0x38;
	[tilespmem:$0x4400] =	vst v63  }
0x7: {  	s26 =	sadd.s32 $0x400, s4;
	s3 =	simm.s32 $0x400  }
0x8: {  	[tilespmem:s3], [sflag:$0x2] =	stream.linear.gather [hbm4b:s26+s5], $0x1000, $0x38;
	[tilespmem:$0x4400] =	vst v63  }
0x9: {  	s7 =	simm.s32 $0x1400;
	s28 =	sadd.s32 $0x600, s4  }
0xa: {  	[tilespmem:s7], [sflag:$0x2] =	stream.linear.gather [hbm4b:s28+s5], $0x1000, $0x38;
	[tilespmem:$0x4400] =	vst v63  }
0xb: {  	s29 =	simm.s32 $0x2400;
	s30 =	simm.s32 $0x1;
	s4 =	sadd.s32 $0x800, s4  }
0xc: {  	[tilespmem:s29], [sflag:$0x2] =	stream.linear.gather [hbm4b:s4+s5], $0x1000, $0x38;
	[tilespmem:$0x4400] =	vst v63  }
0xd: {  	_ =	swait.ge [sflag:s30], $0x400  }
0xe: {  	[sflag:s30] =	ssyncset.done $0x0  }
0xf: {  	s31 =	simm.s32 $0x2;
	[sflag:s30] =	ssyncadd.s32 $0xFFFFFC00  }
0x10: {  	_ =	swait.ge [sflag:s31], $0x1000  }
0x11: {  	[sflag:s31] =	ssyncset.done $0x0  }
0x12: {  	[sflag:s31] =	ssyncadd.s32 $0xFFFFF000  }
0x13: {  	_ =	swait.ge [sflag:s31], $0x1000  }
0x14: {  	[sflag:s31] =	ssyncset.done $0x0  }
0x15: {  	[sflag:s31] =	ssyncadd.s32 $0xFFFFF000  }
0x16: {  	_ =	swait.ge [sflag:s31], $0x1000  }
0x17: {  	s6 =	simm.s32 $0x34C0;
	[sflag:s31] =	ssyncset.done $0x0  }
0x18: {  	s4 =	simm.s32 $0xFFFFFFF8;
	s5 =	simm.s32 $0x40;
	[sflag:s31] =	ssyncadd.s32 $0xFFFFF000  }
.LBB2_1:
0x19: {  	v0 =	vld [tilespmem:s5+$0xFFFFFFC0];
	_ =	sdelay $0x7  }
0x1a: {  	v1 =	vld.idx.msk [tilespmem:v0+s3+$0x0], $0xffff  }
0x1b: {  	v2 =	vadd.s32 $0x1000, v0;
	_ =	sdelay $0x3  }
0x1c: {  	[tilespmem:s6+$0xFFFFFF40] =	vst v1  }
0x1d: {  	v1 =	vld.idx.msk [tilespmem:v2+s3+$0x0], $0xffff  }
0x1e: {  	v0 =	vadd.s32 $0x2000, v0;
	_ =	sdelay $0x3  }
0x1f: {  	[tilespmem:s6+$0xFFFFFFC0] =	vst v1  }
0x20: {  	v0 =	vld.idx.msk [tilespmem:v0+s3+$0x0], $0xffff;
	_ =	sdelay $0x4  }
0x21: {  	[tilespmem:s6+$0x40] =	vst v0  }
0x22: {  	v0 =	vld [tilespmem:s5+$0xFFFFFFD0];
	_ =	sdelay $0x7  }
0x23: {  	v1 =	vld.idx.msk [tilespmem:v0+s3+$0x0], $0xffff  }
0x24: {  	v57 =	vadd.s32 $0x1000, v0;
	_ =	sdelay $0x3  }
0x25: {  	[tilespmem:s6+$0xFFFFFF50] =	vst v1  }
0x26: {  	v1 =	vld.idx.msk [tilespmem:v57+s3+$0x0], $0xffff  }
0x27: {  	v0 =	vadd.s32 $0x2000, v0;
	_ =	sdelay $0x3  }
0x28: {  	[tilespmem:s6+$0xFFFFFFD0] =	vst v1  }
0x29: {  	v0 =	vld.idx.msk [tilespmem:v0+s3+$0x0], $0xffff;
	_ =	sdelay $0x4  }
0x2a: {  	[tilespmem:s6+$0x50] =	vst v0  }
0x2b: {  	v0 =	vld [tilespmem:s5+$0xFFFFFFE0];
	_ =	sdelay $0x7  }
0x2c: {  	v1 =	vld.idx.msk [tilespmem:v0+s3+$0x0], $0xffff  }
0x2d: {  	v58 =	vadd.s32 $0x1000, v0;
	_ =	sdelay $0x3  }
0x2e: {  	[tilespmem:s6+$0xFFFFFF60] =	vst v1  }
0x2f: {  	v1 =	vld.idx.msk [tilespmem:v58+s3+$0x0], $0xffff  }
0x30: {  	v0 =	vadd.s32 $0x2000, v0;
	_ =	sdelay $0x3  }
0x31: {  	[tilespmem:s6+$0xFFFFFFE0] =	vst v1  }
0x32: {  	v0 =	vld.idx.msk [tilespmem:v0+s3+$0x0], $0xffff;
	_ =	sdelay $0x4  }
0x33: {  	[tilespmem:s6+$0x60] =	vst v0  }
0x34: {  	v0 =	vld [tilespmem:s5+$0xFFFFFFF0];
	_ =	sdelay $0x7  }
0x35: {  	v1 =	vld.idx.msk [tilespmem:v0+s3+$0x0], $0xffff  }
0x36: {  	v59 =	vadd.s32 $0x1000, v0;
	_ =	sdelay $0x3  }
0x37: {  	[tilespmem:s6+$0xFFFFFF70] =	vst v1  }
0x38: {  	v1 =	vld.idx.msk [tilespmem:v59+s3+$0x0], $0xffff  }
0x39: {  	v0 =	vadd.s32 $0x2000, v0;
	_ =	sdelay $0x3  }
0x3a: {  	[tilespmem:s6+$0xFFFFFFF0] =	vst v1  }
0x3b: {  	v0 =	vld.idx.msk [tilespmem:v0+s3+$0x0], $0xffff;
	_ =	sdelay $0x4  }
0x3c: {  	[tilespmem:s6+$0x70] =	vst v0  }
0x3d: {  	v0 =	vld [tilespmem:s5+$0x0];
	_ =	sdelay $0x7  }
0x3e: {  	v1 =	vld.idx.msk [tilespmem:v0+s3+$0x0], $0xffff  }
0x3f: {  	v60 =	vadd.s32 $0x1000, v0;
	_ =	sdelay $0x3  }
0x40: {  	[tilespmem:s6+$0xFFFFFF80] =	vst v1  }
0x41: {  	v1 =	vld.idx.msk [tilespmem:v60+s3+$0x0], $0xffff  }
0x42: {  	v0 =	vadd.s32 $0x2000, v0;
	_ =	sdelay $0x3  }
0x43: {  	[tilespmem:s6+$0x0] =	vst v1  }
0x44: {  	v0 =	vld.idx.msk [tilespmem:v0+s3+$0x0], $0xffff;
	_ =	sdelay $0x4  }
0x45: {  	[tilespmem:s6+$0x80] =	vst v0  }
0x46: {  	v0 =	vld [tilespmem:s5+$0x10];
	_ =	sdelay $0x7  }
0x47: {  	v1 =	vld.idx.msk [tilespmem:v0+s3+$0x0], $0xffff  }
0x48: {  	v61 =	vadd.s32 $0x1000, v0;
	_ =	sdelay $0x3  }
0x49: {  	[tilespmem:s6+$0xFFFFFF90] =	vst v1  }
0x4a: {  	v1 =	vld.idx.msk [tilespmem:v61+s3+$0x0], $0xffff  }
0x4b: {  	v0 =	vadd.s32 $0x2000, v0;
	_ =	sdelay $0x3  }
0x4c: {  	[tilespmem:s6+$0x10] =	vst v1  }
0x4d: {  	v0 =	vld.idx.msk [tilespmem:v0+s3+$0x0], $0xffff;
	_ =	sdelay $0x4  }
0x4e: {  	[tilespmem:s6+$0x90] =	vst v0  }
0x4f: {  	v0 =	vld [tilespmem:s5+$0x20];
	_ =	sdelay $0x7  }
0x50: {  	v1 =	vld.idx.msk [tilespmem:v0+s3+$0x0], $0xffff  }
0x51: {  	v62 =	vadd.s32 $0x1000, v0;
	_ =	sdelay $0x3  }
0x52: {  	[tilespmem:s6+$0xFFFFFFA0] =	vst v1  }
0x53: {  	v1 =	vld.idx.msk [tilespmem:v62+s3+$0x0], $0xffff  }
0x54: {  	v0 =	vadd.s32 $0x2000, v0;
	_ =	sdelay $0x3  }
0x55: {  	[tilespmem:s6+$0x20] =	vst v1  }
0x56: {  	v0 =	vld.idx.msk [tilespmem:v0+s3+$0x0], $0xffff;
	_ =	sdelay $0x4  }
0x57: {  	[tilespmem:s6+$0xA0] =	vst v0  }
0x58: {  	v0 =	vld [tilespmem:s5+$0x30];
	_ =	sdelay $0x7  }
0x59: {  	v1 =	vld.idx.msk [tilespmem:v0+s3+$0x0], $0xffff  }
0x5a: {  	v63 =	vadd.s32 $0x1000, v0;
	_ =	sdelay $0x3  }
0x5b: {  	[tilespmem:s6+$0xFFFFFFB0] =	vst v1  }
0x5c: {  	v1 =	vld.idx.msk [tilespmem:v63+s3+$0x0], $0xffff  }
0x5d: {  	v0 =	vadd.s32 $0x2000, v0;
	_ =	sdelay $0x3  }
0x5e: {  	s4 =	sadd.s32 $0x8, s4;
	[tilespmem:s6+$0x30] =	vst v1  }
0x5f: {  	p0 =	slt.u32 s4, $0x38;
	v0 =	vld.idx.msk [tilespmem:v0+s3+$0x0], $0xffff  }
.Ltmp0:
0x60: {  	_ = 	snop;
	(pc) =	sbr.rel @p0 .LBB2_1-.Ltmp0, $2  }
0x61: {  	_ =	sdelay $0x2  }
0x62: {  	s5 =	sadd.s32 $0x80, s5;
	[tilespmem:s6+$0xB0] =	vst v0;
	s6 =	sadd.s32 $0x200, s6  }
0x63: {  	s3 =	sshll.u32 s1, $0x9;
	s30 =	simm.s32 $0x0  }
0x64: {  	s4 =	simm.s32 $0x3400;
	s31 =	simm.s32 $0x3;
	s2 =	sadd.s32 s2, s3  }
0x65: {  	[hbm4b:s2+s30] =	stream.linear.scatter [tilespmem:s4], [sflag:$0x3], $0x1000, $0x38;
	[tilespmem:$0x4400] =	vst v63  }
0x66: {  	_ =	swait.ge [sflag:s31], $0x1000  }
0x67: {  	[sflag:s31] =	ssyncset.done $0x0  }
0x68: {  	[sflag:s31] =	ssyncadd.s32 $0xFFFFF000  }
0x69: {  	_ =	sfence.sel $0x180000  }
0x6a: {  	[bflag:$0x0] =	sbarrier.arrive $0xFFFF  }
0x6b: {  	p0 =	sne.s32 s1, $0x0;
	_ =	strace $0x90000047  }
0x6c: {  	s0 =	sadd.s32 @!p0 $0x100000, s0;
	[bflag:$0x2] =	sbarrier.arrive $0xFFFF  }
0x6d: {  	[sflag:s0] =	ssyncadd.tile.s32 @!p0 $0x1;
	_ =	shalt  }
.Lfunc_end2:
_tile_overlayer_lowered:
.L_overlay_start_2:
0x6e: {  	(tag) =	ssettag $0x2  }
0x6f: {  	s0 =	rddreg [dreg:$0x0];
	s2 =	stileid.u32  }
0x70: {  	s1 =	rddreg [dreg:$0x1];
	p0 =	sne.s32 s2, $0x0  }
0x71: {  	s3 =	rddreg [dreg:$0x2];
	[bflag:$0x3] =	sbarrier.arrive $0xFFFF;
	s2 =	simm.s32 @!p0 $0x1C03  }
0x72: {  	[timem:s3], [sflag:s2] =	dma.local @!p0 [hbm:s0], s1  }
0x73: {  	s0 =	simm.s32 @!p0 $0x3  }
0x74: {  	_ =	swait.ge @!p0 [sflag:s0], s1  }
0x75: {  	s1 =	ssub.s32 @!p0 $0x0, s1;
	[sflag:s0] =	ssyncset.done @!p0 $0x0  }
0x76: {  	[sflag:s0] =	ssyncadd.s32 @!p0 s1  }
0x77: {  	[bflag:$0x3] =	sbarrier.arrive $0xFFFF  }
0x78: {  	_ =	shalt  }

</sc_bundles>
